<compile_context>
chip_gen: v7x
topology: tpu7x:2x2x1
jax: 0.10.2.dev20260603
libtpu: 0.0.44.dev20260713+nightly
codegen_flags: <defaults>
</compile_context>

<pallas_src>
import functools

import jax
import jax.numpy as jnp
from jax import lax
from jax.experimental import pallas as pl
from jax.experimental.pallas import tpu as pltpu
from jax.experimental.pallas import tpu_sc as plsc

_VOCAB = 800
_EMB = 128
_BATCH = 16384

_NC = 2
_NS = 16
_NW = _NC * _NS
_L = 16
_BPW = _BATCH // _NW


def _tc_scores_body(table_ref, w_ref, b_ref, t_ref):
    t = jax.lax.dot_general(
        w_ref[...], table_ref[...],
        dimension_numbers=(((1,), (1,)), ((), ())),
        preferred_element_type=jnp.float32)
    rowid = jax.lax.broadcasted_iota(jnp.int32, (2, _VOCAB), 0)
    t_ref[...] = t + jnp.where(rowid == 0, b_ref[0], 0.0)


def _tc_scores(table, w2row, b):
    return pl.pallas_call(
        _tc_scores_body,
        out_shape=jax.ShapeDtypeStruct((2, _VOCAB), jnp.float32),
        in_specs=[
            pl.BlockSpec(memory_space=pltpu.VMEM),
            pl.BlockSpec(memory_space=pltpu.VMEM),
            pl.BlockSpec(memory_space=pltpu.SMEM),
        ],
    )(table, w2row, b)


def _sc_gather_body(t_hbm, first_hbm, second_hbm, out_hbm,
                    t_v, f_v, s_v, o_v, sem):
    sid = lax.axis_index("s")
    cid = lax.axis_index("c")
    wid = cid * _NS + sid
    base = wid * _BPW
    c1 = pltpu.async_copy(t_hbm, t_v, sem)
    c3 = pltpu.async_copy(first_hbm.at[pl.ds(base, _BPW)], f_v, sem)
    c4 = pltpu.async_copy(second_hbm.at[pl.ds(base, _BPW)], s_v, sem)
    c1.wait()
    c3.wait()
    c4.wait()

    row0 = lax.iota(jnp.int32, _L) * 0
    row1 = row0 + 1

    @plsc.parallel_loop(0, _BPW, _L, unroll=2)
    def _gather_step(off):
        a = plsc.load_gather(t_v, [row0, f_v[pl.ds(off, _L)]])
        c = plsc.load_gather(t_v, [row1, s_v[pl.ds(off, _L)]])
        x = a + c
        o_v[pl.ds(off, _L)] = 1.0 / (1.0 + jnp.exp(-x))

    pltpu.sync_copy(o_v, out_hbm.at[pl.ds(base, _BPW)])


_sc_gather = functools.partial(
    pl.kernel,
    out_type=jax.ShapeDtypeStruct((_BATCH,), jnp.float32),
    mesh=plsc.VectorSubcoreMesh(core_axis_name="c", subcore_axis_name="s"),
    compiler_params=pltpu.CompilerParams(
        needs_layout_passes=False, skip_device_barrier=True),
    scratch_types=[
        pltpu.VMEM((2, _VOCAB), jnp.float32),
        pltpu.VMEM((_BPW,), jnp.int32),
        pltpu.VMEM((_BPW,), jnp.int32),
        pltpu.VMEM((_BPW,), jnp.float32),
        pltpu.SemaphoreType.DMA,
    ],
)(_sc_gather_body)


@jax.jit
def kernel(first, second, table, W, b):
    w2row = W.reshape(2, _EMB)
    t = _tc_scores(table, w2row, b)
    out = _sc_gather(t, first.astype(jnp.int32), second.astype(jnp.int32))
    return out.reshape(_BATCH, 1)

# --- scband reference (transcript-rebuilt; emitter-appended) ---
"""Pipeline reference for scband-embedding-model-75797582840703 (READ-ONLY COPY).

The authoritative reference and input builder live on the scoring server;
editing this copy changes nothing except your own understanding.
"""

import jax, jax.numpy as jnp
import numpy as np

VOCAB = 800
EMB = 128
BATCH = 16384

def setup_inputs(seed: int = 0) -> dict:
    key = jax.random.key(seed)
    k1, k2, k3, k4, k5 = jax.random.split(key, 5)
    first = jax.random.randint(k1, (BATCH,), 0, VOCAB, dtype=jnp.int64 if jax.config.jax_enable_x64 else jnp.int32)
    second = jax.random.randint(k2, (BATCH,), 0, VOCAB, dtype=jnp.int64 if jax.config.jax_enable_x64 else jnp.int32)
    table = jax.random.normal(k3, (VOCAB, EMB), dtype=jnp.float32)
    W = jax.random.normal(k4, (EMB * 2, 1), dtype=jnp.float32) * (1.0 / np.sqrt(EMB * 2))
    b = jax.random.normal(k5, (1,), dtype=jnp.float32) * 0.01
    return {"first": first, "second": second, "table": table, "W": W, "b": b}

def reference(first, second, table, W, b):
    # embedding lookups (gather)
    first_embedding = jnp.take(table, first, axis=0)
    second_embedding = jnp.take(table, second, axis=0)
    combined = jnp.concatenate((first_embedding, second_embedding), axis=-1)
    # Dropout(p=0.0) is identity in this configuration
    logits = combined @ W + b
    return jax.nn.sigmoid(logits)

if __name__ == "__main__":
    import jax
    _d = setup_inputs()
    print(jax.jit(kernel)(*tuple(_d.values())))

</pallas_src>

<mosaic_0001>
#map = affine_map<(d0, d1) -> (0, 0)>
#map1 = affine_map<(d0, d1) -> (0)>
module attributes {stable_mosaic.version = 14 : i64} {
  func.func @_sc_gather_body(%arg0: i32, %arg1: i32, %arg2: memref<2x800xf32, #tpu.memory_space<hbm>>, %arg3: memref<16384xi32, #tpu.memory_space<hbm>>, %arg4: memref<16384xi32, #tpu.memory_space<hbm>>, %arg5: memref<16384xf32, #tpu.memory_space<hbm>>, %arg6: memref<2x800xf32, #tpu.memory_space<vmem>>, %arg7: memref<512xi32, #tpu.memory_space<vmem>>, %arg8: memref<512xi32, #tpu.memory_space<vmem>>, %arg9: memref<512xf32, #tpu.memory_space<vmem>>, %arg10: memref<!tpu.dma_semaphore, #tpu.memory_space<semaphore_mem>>) attributes {dimension_semantics = [#tpu.dimension_semantics<core_parallel>, #tpu.dimension_semantics<subcore_parallel>], iteration_bounds = array<i64: 2, 16>, scalar_prefetch = 0 : i64, scratch_operands = 5 : i64, tpu.core_type = #tpu.core_type<sc_vector_subcore>, window_params = [{transform_indices = #map}, {transform_indices = #map1}, {transform_indices = #map1}, {transform_indices = #map1}]} {
    %mul3A = arith.constant 16 : i32
    %mul3A_0 = arith.muli %arg0, %mul3A : i32
    %add3A = arith.addi %mul3A_0, %arg1 : i32
    %mul3A_1 = arith.constant 512 : i32
    %mul3A_2 = arith.muli %add3A, %mul3A_1 : i32
    tpu.enqueue_dma source(%arg2 : memref<2x800xf32, #tpu.memory_space<hbm>>) target(%arg6 : memref<2x800xf32, #tpu.memory_space<vmem>>) target_semaphore(%arg10 : memref<!tpu.dma_semaphore, #tpu.memory_space<semaphore_mem>>)
    %dma_start3A = tpu.memref_slice %arg3[%mul3A_2] : memref<16384xi32, #tpu.memory_space<hbm>> -> memref<512xi32, #tpu.memory_space<hbm>>
    %dma_start3A_3 = tpu.memref_slice %arg3[%mul3A_2] : memref<16384xi32, #tpu.memory_space<hbm>> -> memref<512xi32, #tpu.memory_space<hbm>>
    tpu.enqueue_dma source(%dma_start3A_3 : memref<512xi32, #tpu.memory_space<hbm>>) target(%arg7 : memref<512xi32, #tpu.memory_space<vmem>>) target_semaphore(%arg10 : memref<!tpu.dma_semaphore, #tpu.memory_space<semaphore_mem>>)
    %dma_start3A_4 = tpu.memref_slice %arg4[%mul3A_2] : memref<16384xi32, #tpu.memory_space<hbm>> -> memref<512xi32, #tpu.memory_space<hbm>>
    %dma_start3A_5 = tpu.memref_slice %arg4[%mul3A_2] : memref<16384xi32, #tpu.memory_space<hbm>> -> memref<512xi32, #tpu.memory_space<hbm>>
    tpu.enqueue_dma source(%dma_start3A_5 : memref<512xi32, #tpu.memory_space<hbm>>) target(%arg8 : memref<512xi32, #tpu.memory_space<vmem>>) target_semaphore(%arg10 : memref<!tpu.dma_semaphore, #tpu.memory_space<semaphore_mem>>)
    tpu.wait_dma2 semaphore(%arg10 : memref<!tpu.dma_semaphore, #tpu.memory_space<semaphore_mem>>) src(%arg2 : memref<2x800xf32, #tpu.memory_space<hbm>>) dst(%arg6 : memref<2x800xf32, #tpu.memory_space<vmem>>)
    %dma_wait3A = tpu.memref_slice %arg3[%mul3A_2] : memref<16384xi32, #tpu.memory_space<hbm>> -> memref<512xi32, #tpu.memory_space<hbm>>
    %dma_wait3A_6 = tpu.memref_slice %arg3[%mul3A_2] : memref<16384xi32, #tpu.memory_space<hbm>> -> memref<512xi32, #tpu.memory_space<hbm>>
    tpu.wait_dma2 semaphore(%arg10 : memref<!tpu.dma_semaphore, #tpu.memory_space<semaphore_mem>>) src(%dma_wait3A_6 : memref<512xi32, #tpu.memory_space<hbm>>) dst(%arg7 : memref<512xi32, #tpu.memory_space<vmem>>)
    %dma_wait3A_7 = tpu.memref_slice %arg4[%mul3A_2] : memref<16384xi32, #tpu.memory_space<hbm>> -> memref<512xi32, #tpu.memory_space<hbm>>
    %dma_wait3A_8 = tpu.memref_slice %arg4[%mul3A_2] : memref<16384xi32, #tpu.memory_space<hbm>> -> memref<512xi32, #tpu.memory_space<hbm>>
    tpu.wait_dma2 semaphore(%arg10 : memref<!tpu.dma_semaphore, #tpu.memory_space<semaphore_mem>>) src(%dma_wait3A_8 : memref<512xi32, #tpu.memory_space<hbm>>) dst(%arg8 : memref<512xi32, #tpu.memory_space<vmem>>)
    %iota3A = tpu.iota {dimensions = array<i32: 0>} : vector<16xi32>
    %mul3A_9 = arith.constant 0 : i32
    %mul3A_10 = vector.broadcast %mul3A_9 : i32 to vector<16xi32>
    %mul3A_11 = arith.muli %iota3A, %mul3A_10 : vector<16xi32>
    %add3A_12 = arith.constant 1 : i32
    %add3A_13 = vector.broadcast %add3A_12 : i32 to vector<16xi32>
    %add3A_14 = arith.addi %mul3A_11, %add3A_13 : vector<16xi32>
    %parallel_loop3A = arith.constant 0 : i32
    %parallel_loop3A_15 = arith.constant 512 : i32
    %parallel_loop3A_16 = arith.constant 16 : i32
    scf.for %parallel_loop3A_17 = %parallel_loop3A to %parallel_loop3A_15 step %parallel_loop3A_16  : i32 {
      %parallel_loop3A_18 = arith.index_cast %parallel_loop3A_17 : i32 to index
      %parallel_loop3A_19 = tpu.vector_load %arg7[%parallel_loop3A_18] {strides = array<i32>} : memref<512xi32, #tpu.memory_space<vmem>>, vector<16xi32>,
      %parallel_loop3A_20 = tpu.vector_load_idx %arg6[%mul3A_11, %parallel_loop3A_19] : memref<2x800xf32, #tpu.memory_space<vmem>>[vector<16xi32>, vector<16xi32>], vector<16xf32>,
      %parallel_loop3A_21 = arith.index_cast %parallel_loop3A_17 : i32 to index
      %parallel_loop3A_22 = tpu.vector_load %arg8[%parallel_loop3A_21] {strides = array<i32>} : memref<512xi32, #tpu.memory_space<vmem>>, vector<16xi32>,
      %parallel_loop3A_23 = tpu.vector_load_idx %arg6[%add3A_14, %parallel_loop3A_22] : memref<2x800xf32, #tpu.memory_space<vmem>>[vector<16xi32>, vector<16xi32>], vector<16xf32>,
      %parallel_loop3A_24 = arith.addf %parallel_loop3A_20, %parallel_loop3A_23 : vector<16xf32>
      %parallel_loop3A_25 = arith.constant 0.000000e+00 : f32
      %parallel_loop3A_26 = vector.broadcast %parallel_loop3A_25 : f32 to vector<16xf32>
      %parallel_loop3A_27 = arith.subf %parallel_loop3A_26, %parallel_loop3A_24 : vector<16xf32>
      %parallel_loop3A_28 = math.exp %parallel_loop3A_27 : vector<16xf32>
      %parallel_loop3A_29 = arith.constant 1.000000e+00 : f32
      %parallel_loop3A_30 = vector.broadcast %parallel_loop3A_29 : f32 to vector<16xf32>
      %parallel_loop3A_31 = arith.addf %parallel_loop3A_30, %parallel_loop3A_28 : vector<16xf32>
      %parallel_loop3A_32 = arith.constant 1.000000e+00 : f32
      %parallel_loop3A_33 = vector.broadcast %parallel_loop3A_32 : f32 to vector<16xf32>
      %parallel_loop3A_34 = arith.divf %parallel_loop3A_33, %parallel_loop3A_31 : vector<16xf32>
      %parallel_loop3A_35 = arith.index_cast %parallel_loop3A_17 : i32 to index
      %parallel_loop3A_36 = tpu.vector_load %arg9[%parallel_loop3A_35] {strides = array<i32>} : memref<512xf32, #tpu.memory_space<vmem>>, vector<16xf32>,
      tpu.vector_store %arg9[%parallel_loop3A_35], %parallel_loop3A_34 {strides = array<i32>} : memref<512xf32, #tpu.memory_space<vmem>>, vector<16xf32>,
    } {sc.loop_unroll_factor = 2 : i64, sc.parallel_access}
    "tpu.region"() ({
      %run_scoped3A = tpu.sem_alloc : memref<!tpu.dma_semaphore, #tpu.memory_space<semaphore_mem>>
      %dma_start3A_17 = tpu.memref_slice %arg5[%mul3A_2] : memref<16384xf32, #tpu.memory_space<hbm>> -> memref<512xf32, #tpu.memory_space<hbm>>
      %dma_start3A_18 = tpu.memref_slice %arg5[%mul3A_2] : memref<16384xf32, #tpu.memory_space<hbm>> -> memref<512xf32, #tpu.memory_space<hbm>>
      tpu.enqueue_dma source(%arg9 : memref<512xf32, #tpu.memory_space<vmem>>) target(%dma_start3A_18 : memref<512xf32, #tpu.memory_space<hbm>>) target_semaphore(%run_scoped3A : memref<!tpu.dma_semaphore, #tpu.memory_space<semaphore_mem>>)
      %dma_wait3A_19 = tpu.memref_slice %arg5[%mul3A_2] : memref<16384xf32, #tpu.memory_space<hbm>> -> memref<512xf32, #tpu.memory_space<hbm>>
      %dma_wait3A_20 = tpu.memref_slice %arg5[%mul3A_2] : memref<16384xf32, #tpu.memory_space<hbm>> -> memref<512xf32, #tpu.memory_space<hbm>>
      tpu.wait_dma2 semaphore(%run_scoped3A : memref<!tpu.dma_semaphore, #tpu.memory_space<semaphore_mem>>) src(%arg9 : memref<512xf32, #tpu.memory_space<vmem>>) dst(%dma_wait3A_20 : memref<512xf32, #tpu.memory_space<hbm>>)
      tpu.yield
    }) : () -> ()
    return
  }
}

module attributes {stable_mosaic.version = 14 : i64} {
  func.func @_tc_scores_body(%arg0: memref<800x128xf32, #tpu.memory_space<vmem>>, %arg1: memref<2x128xf32, #tpu.memory_space<vmem>>, %arg2: memref<1xf32, #tpu.memory_space<smem>>, %arg3: memref<2x800xf32, #tpu.memory_space<vmem>>) attributes {dimension_semantics = [], scalar_prefetch = 0 : i64, scratch_operands = 0 : i64, tpu.core_type = #tpu.core_type<tc>} {
    %get3A = arith.constant 0 : index
    %get3A_0 = arith.constant 0 : index
    %get3A_1 = vector.load %arg1[%get3A, %get3A_0] : memref<2x128xf32, #tpu.memory_space<vmem>>, vector<2x128xf32>
    %get3A_2 = arith.constant 0 : index
    %get3A_3 = arith.constant 0 : index
    %get3A_4 = vector.load %arg0[%get3A_2, %get3A_3] : memref<800x128xf32, #tpu.memory_space<vmem>>, vector<800x128xf32>
    %dot_general3A = arith.constant dense<0.000000e+00> : vector<2x800xf32>
    %dot_general3A_5 = tpu.matmul %get3A_1, %get3A_4, %dot_general3A {dimension_numbers = #tpu.dot_dimension_numbers<[1], [1], [0], [0], [0, 0, 1, 0], [], []>, transpose_lhs_hint = false} : vector<2x128xf32>, vector<800x128xf32>, vector<2x800xf32> -> vector<2x800xf32>
    %iota3A = tpu.iota {dimensions = array<i32: 0>} : vector<2x800xi32>
    %eq3A = arith.constant 0 : i32
    %eq3A_6 = vector.broadcast %eq3A : i32 to vector<2x800xi32>
    %eq3A_7 = arith.cmpi eq, %iota3A, %eq3A_6 : vector<2x800xi32>
    %get3A_8 = arith.constant 0 : index
    %get3A_9 = memref.load %arg2[%get3A_8] : memref<1xf32, #tpu.memory_space<smem>>
    %jit3A = arith.constant 0.000000e+00 : f32
    %broadcast_in_dim3A = vector.broadcast %get3A_9 : f32 to vector<2x800xf32>
    %broadcast_in_dim3A_10 = vector.broadcast %jit3A : f32 to vector<2x800xf32>
    %select_n3A = arith.select %eq3A_7, %broadcast_in_dim3A, %broadcast_in_dim3A_10 : vector<2x800xi1>, vector<2x800xf32>
    %add3A = arith.addf %dot_general3A_5, %select_n3A : vector<2x800xf32>
    %swap3A = arith.constant 0 : index
    %swap3A_11 = arith.constant 0 : index
    %swap3A_12 = vector.load %arg3[%swap3A, %swap3A_11] : memref<2x800xf32, #tpu.memory_space<vmem>>, vector<2x800xf32>
    tpu.vector_store %arg3[%swap3A, %swap3A_11], %add3A {strides = array<i32>} : memref<2x800xf32, #tpu.memory_space<vmem>>, vector<2x800xf32>,
    return
  }
}

</mosaic_0001>

<sc_bundles>
// kernel: kernel.4.cloned.1.call-start
scs
__scs_entry_jumppad:
0x0: {  	(pc) =	sbr.rel $0x88, $3  }
0x1: {  	(tag) =	ssettag $0x0;
	lr =	simm.s32 $0x1  }
0x2: {  	[smem:$0x3F9C] =	sst lr;
	_ =	strace $0xD0000000  }
0x3: {  	_ = 	snop  }
0x4: {  	_ = 	snop  }
0x5: {  	_ = 	snop  }
0x6: {  	_ = 	snop  }
0x7: {  	_ = 	snop  }
__scs_overlays_trampoline_lowered:
0x8: {  	[smem:$0x3FAB] =	sst s0  }
0x9: {  	[smem:$0x3FAC] =	sst s1  }
0xa: {  	[smem:$0x3FAD] =	sst s2  }
0xb: {  	[smem:$0x3FAE] =	sst s3  }
0xc: {  	[smem:$0x3FAF] =	sst s4  }
0xd: {  	[smem:$0x3FB0] =	sst s5  }
0xe: {  	[smem:$0x3FB1] =	sst s6  }
0xf: {  	[smem:$0x3FB2] =	sst s7  }
0x10: {  	[smem:$0x3FB3] =	sst s8  }
0x11: {  	[smem:$0x3FB4] =	sst s9;
	s0 =	simm.s32 @!p0 $0x0  }
0x12: {  	s1 =	sld [smem:$0x3F9A];
	s0 =	simm.s32 @p0 $0x1  }
0x13: {  	[smem:$0x3FB5] =	sst s0;
	s0 =	simm.s32 @!p1 $0x0  }
0x14: {  	s2 =	sld [smem:$0x3F99];
	s0 =	simm.s32 @p1 $0x1  }
0x15: {  	[smem:$0x3FB6] =	sst s0;
	s0 =	simm.s32 @!p2 $0x0  }
0x16: {  	s3 =	sld [smem:$0x3FDB];
	s0 =	simm.s32 @p2 $0x1  }
0x17: {  	s4 =	simm.s32 $0x1BF5;
	[smem:$0x3FB8] =	sst s0  }
0x18: {  	s0 =	sld [smem:$0x3F9B];
	_ =	swait.ge [sflag:s4], $0x0  }
0x19: {  	s7 =	sld [smem:$0x3F9C]  }
0x1a: {  	s8 =	sadd.s32 $0xFFFFE003, lr  }
0x1b: {  	s9 =	sadd.s32 $0xFFFFFEF7, lr;
	s5 =	simm.s32 $0xFFFFFFFF;
	p2 =	slt.u32 s8, $0xFFFFF086  }
0x1c: {  	p1 =	slt.u32 s9, $0xF7A;
	s5 =	simm.s32 @!p2 $0x0  }
0x1d: {  	s5 =	simm.s32 @p1 $0x1;
	p0 =	seq.s32 s7, s2  }
0x1e: {  	s7 =	smul.u32 @!p0 $0xF7A, s2;
	p2 =	seq.s32 @!p0 s5, $0x0  }
0x1f: {  	s9 =	smul.u32 $0xF7A, s1;
	s8 =	simm.s32 @!p0 $0x1BF5;
	p2 =	por !p2, p0  }
0x20: {  	[sflag:s8] =	ssyncset.s32 @!p0 $0xFFFFF086;
	s6 =	sadd.s32 @!p0 s3, s7;
	s7 =	simm.s32 @!p0 $0x108  }
0x21: {  	s3 =	sadd.s32 s3, s9;
	s6 =	sadd.s32 @!p0 $0x88, s6;
	s7 =	simm.s32 @p2 $0x1082  }
0x22: {  	[simem:s7], [sflag:s8] =	dma.local @!p0 [hbm:s6], $0xF7A  }
0x23: {  	s9 =	sor.u32 $0xD0000000, s2;
	s6 =	simm.s32 $0x108;
	_ =	swait.ge @!p0 [sflag:s8], $0x0  }
0x24: {  	s3 =	sadd.s32 $0x88, s3;
	s6 =	simm.s32 @!p1 $0x1082;
	[sflag:s4] =	ssyncset.s32 $0xFFFFF086  }
0x25: {  	[simem:s6], [sflag:s4] =	dma.local [hbm:s3], $0xF7A  }
0x26: {  	[smem:$0x3F9C] =	sst s1;
	(tag) =	ssettag s2;
	_ =	strace s9  }
0x27: {  	s1 =	sld [smem:$0x3FAC]  }
0x28: {  	s2 =	sld [smem:$0x3FAD]  }
0x29: {  	s4 =	sld [smem:$0x3FAF]  }
0x2a: {  	p0 =	seq.s32 s5, $0x0;
	s5 =	sld [smem:$0x3FB0]  }
0x2b: {  	s6 =	sld [smem:$0x3FB1]  }
0x2c: {  	s7 =	sld [smem:$0x3FB2]  }
0x2d: {  	s3 =	simm.s32 $0x108;
	s8 =	sld [smem:$0x3FB3]  }
0x2e: {  	s3 =	simm.s32 @!p0 $0x1082;
	s9 =	sld [smem:$0x3FB4]  }
0x2f: {  	lr =	sadd.s32 s0, s3;
	s0 =	sld [smem:$0x3FAB]  }
0x30: {  	s3 =	sld [smem:$0x3FAE]  }
0x31: {  	[smem:$0x3FB7] =	sst s10  }
0x32: {  	s10 =	sld [smem:$0x3FB5];
	_ =	sdelay $0x3  }
0x33: {  	p0 =	seq.s32 s10, $0x1;
	s10 =	sld [smem:$0x3FB7];
	_ =	sdelay $0x3  }
0x34: {  	[smem:$0x3FB7] =	sst s10  }
0x35: {  	s10 =	sld [smem:$0x3FB6];
	_ =	sdelay $0x3  }
0x36: {  	p1 =	seq.s32 s10, $0x1;
	s10 =	sld [smem:$0x3FB7];
	_ =	sdelay $0x3  }
0x37: {  	[smem:$0x3FB7] =	sst s10  }
0x38: {  	s10 =	sld [smem:$0x3FB8]  }
0x39: {  	_ = 	snop;
	(pc) =	sbr.ind lr, $3  }
0x3a: {  	_ = 	snop  }
0x3b: {  	_ = 	snop  }
0x3c: {  	p2 =	seq.s32 s10, $0x1;
	s10 =	sld [smem:$0x3FB7]  }
0x3d: {  	_ =	shalt  }
0x3e: {  	_ =	shalt  }
0x3f: {  	_ =	shalt  }
0x40: {  	_ =	shalt  }
0x41: {  	_ =	shalt  }
0x42: {  	_ =	shalt  }
0x43: {  	_ =	shalt  }
0x44: {  	_ =	shalt  }
0x45: {  	_ =	shalt  }
0x46: {  	_ =	shalt  }
0x47: {  	_ =	shalt  }
0x48: {  	_ =	shalt  }
0x49: {  	_ =	shalt  }
0x4a: {  	_ =	shalt  }
0x4b: {  	_ =	shalt  }
0x4c: {  	_ =	shalt  }
0x4d: {  	_ =	shalt  }
0x4e: {  	_ =	shalt  }
0x4f: {  	_ =	shalt  }
0x50: {  	_ =	shalt  }
0x51: {  	_ =	shalt  }
0x52: {  	_ =	shalt  }
0x53: {  	_ =	shalt  }
0x54: {  	_ =	shalt  }
0x55: {  	_ =	shalt  }
0x56: {  	_ =	shalt  }
0x57: {  	_ =	shalt  }
0x58: {  	_ =	shalt  }
0x59: {  	_ =	shalt  }
0x5a: {  	_ =	shalt  }
0x5b: {  	_ =	shalt  }
0x5c: {  	_ =	shalt  }
0x5d: {  	_ =	shalt  }
0x5e: {  	_ =	shalt  }
0x5f: {  	_ =	shalt  }
0x60: {  	_ =	shalt  }
0x61: {  	_ =	shalt  }
0x62: {  	_ =	shalt  }
0x63: {  	_ =	shalt  }
0x64: {  	_ =	shalt  }
0x65: {  	_ =	shalt  }
0x66: {  	_ =	shalt  }
0x67: {  	_ =	shalt  }
0x68: {  	_ =	shalt  }
0x69: {  	_ =	shalt  }
0x6a: {  	_ =	shalt  }
0x6b: {  	_ =	shalt  }
0x6c: {  	_ =	shalt  }
0x6d: {  	_ =	shalt  }
0x6e: {  	_ =	shalt  }
0x6f: {  	_ =	shalt  }
0x70: {  	_ =	shalt  }
0x71: {  	_ =	shalt  }
0x72: {  	_ =	shalt  }
0x73: {  	_ =	shalt  }
0x74: {  	_ =	shalt  }
0x75: {  	_ =	shalt  }
0x76: {  	_ =	shalt  }
0x77: {  	_ =	shalt  }
0x78: {  	_ =	shalt  }
0x79: {  	_ =	shalt  }
0x7a: {  	_ =	shalt  }
0x7b: {  	_ =	shalt  }
0x7c: {  	_ =	shalt  }
0x7d: {  	_ =	shalt  }
0x7e: {  	_ =	shalt  }
0x7f: {  	_ =	shalt  }
0x80: {  	_ =	shalt  }
0x81: {  	_ =	shalt  }
0x82: {  	_ =	shalt  }
0x83: {  	_ =	shalt  }
0x84: {  	_ =	shalt  }
0x85: {  	_ =	shalt  }
0x86: {  	_ =	shalt  }
0x87: {  	_ =	shalt  }
.Lfunc_end0:
.L_simem_size_0:
called_computation_lowered:
.L_overlay_start_0:
0x88: {  	s2 =	sld [smem:$0x3FD9]  }
0x89: {  	s3 =	sld [smem:$0x3FFE];
	_ =	sdelay $0x1  }
0x8a: {  	s1 =	srdreg.scid  }
0x8b: {  	s0 =	sand.u32 $0x1, s1  }
0x8c: {  	s17 =	sshll.u32 s0, $0xA;
	s2 =	sadd.s32 s3, s2  }
0x8d: {  	s2 =	sadd.s32 s2, s17  }
0x8e: {  	[smem:$0x3FC3] =	sst s2  }
0x8f: {  	_ = 	snop  }
0x90: {  	s2 =	sld [smem:$0x3FC9]  }
0x91: {  	s18 =	sld [smem:$0x3FC8]  }
0x92: {  	s4 =	sld [smem:$0x3FD0];
	(tm) =	ssettm $0x1  }
0x93: {  	s5 =	sld [smem:$0x3FFB];
	_ =	sdelay $0x3  }
0x94: {  	_ =	strace s5  }
0x95: {  	s5 =	sld [smem:$0x3FFC];
	_ =	sdelay $0x3  }
0x96: {  	_ =	strace s5  }
0x97: {  	s5 =	sld [smem:$0x3FFD];
	_ =	sdelay $0x3  }
0x98: {  	_ =	strace s5  }
0x99: {  	_ =	strace $0x8FFFFFFF  }
0x9a: {  	s19 =	sld [smem:$0x3FDB];
	_ =	sdelay $0x1  }
0x9b: {  	s6 =	simm.s32 $_scs_section_size  }
0x9c: {  	s7 =	simm.s32 $_size__tile_overlayer_lowered;
	s8 =	simm.s32 $_tile_overlayer_lowered  }
0x9d: {  	s22 =	simm.s32 $0x1BFF;
	s21 =	sshll.u32 s8, $0x1;
	s5 =	sadd.s32 s6, s19  }
0x9e: {  	s9 =	simm.s32 $0x0;
	s20 =	sshll.u32 s7, $0x1;
	s7 =	sadd.s32 s21, s5  }
0x9f: {  	[timem:s9], [sflag:s22] =	dma.local [hbm:s7], s20  }
0xa0: {  	_ =	swait.ge [sflag:s22], s20  }
0xa1: {  	s6 =	ssub.s32 $0x0, s20;
	[sflag:s22] =	ssyncset.done $0x0  }
0xa2: {  	[sflag:s22] =	ssyncadd.s32 s6;
	_ =	sdelay $0x1  }
0xa3: {  	s23 =	simm.s32 $0x1B8B  }
0xa4: {  	_ =	swait.ge [sflag:s23], $0x1  }
0xa5: {  	[sflag:s23] =	ssyncset.done $0x0  }
0xa6: {  	s25 =	simm.s32 $0x1B8E;
	s24 =	sld [smem:$0x3FFE];
	[sflag:s23] =	ssyncadd.s32 $0xFFFFFFFF  }
0xa7: {  	s26 =	simm.s32 $execute0_lowered;
	[smem:$0x3FD2] =	sst s25  }
0xa8: {  	s7 =	sshll.u32 s26, $0x1;
	_ =	strace $0x80000046;
	[dreg:$0x1] =	wrdreg $0xFFFFFFFF  }
0xa9: {  	s28 =	simm.s32 $_size_execute0_lowered;
	s5 =	sadd.s32 s5, s7;
	[dreg:$0x0] =	wrdreg $0x0  }
0xaa: {  	s7 =	sshll.u32 s28, $0x1;
	[dreg:$0x2] =	wrdreg s5  }
0xab: {  	[dreg:$0x3] =	wrdreg s7  }
0xac: {  	[dreg:$0x4] =	wrdreg $0xC0  }
0xad: {  	_ =	task [dreg:s9], $0x5FFFF  }
0xae: {  	[dreg:$0x1] =	wrdreg $0xFFFFFFFF  }
0xaf: {  	[dreg:$0x0] =	wrdreg $0x60  }
0xb0: {  	[dreg:$0x2] =	wrdreg s24  }
0xb1: {  	[dreg:$0x3] =	wrdreg s2  }
0xb2: {  	[dreg:$0x4] =	wrdreg s18  }
0xb3: {  	[dreg:$0x5] =	wrdreg s4  }
0xb4: {  	[dreg:$0x6] =	wrdreg $0x9  }
0xb5: {  	_ =	task.clear_ibuf [dreg:s9], $0x7FFFF;
	_ =	strace $0x90000046  }
0xb6: {  	s29 =	simm.s32 $0x9;
	_ =	strace $0x80000048  }
0xb7: {  	_ =	swait.ge [sflag:s29], $0x1  }
0xb8: {  	[sflag:s29] =	ssyncadd.s32 $0xFFFFFFFF  }
0xb9: {  	_ =	strace $0x90000048  }
0xba: {  	_ =	sfence  }
0xbb: {  	s30 =	sld [smem:$0x0];
	_ =	sdelay $0x2  }
0xbc: {  	s31 =	sshll.u32 s1, $0xD;
	s1 =	sshrl.u32 s1, $0x2  }
0xbd: {  	s3 =	sand.u32 $0x4000, s31;
	s1 =	sadd.s32 s1, s30  }
0xbe: {  	s0 =	sor.u32 s3, s0;
	s1 =	sshll.u32 s1, $0x11  }
0xbf: {  	s0 =	sor.u32 s1, s0  }
0xc0: {  	s0 =	sadd.s32 $0x8F2B, s0  }
0xc1: {  	[sflag:s0] =	ssyncadd.remote.s32 $0x1  }
0xc2: {  	_ =	sfence.sel $0xFFFF  }
0xc3: {  	[dreg:$0x0] =	wrdreg $0xFFFFFFFF;
	(pc) =	sbr.abs _section_cstart, $3  }
0xc4: {  	[dreg:$0x1] =	wrdreg $0xFFFFFFFF  }
0xc5: {  	_ =	task.clear_ibuf [dreg:s9], $0x2FFFF;
	_ =	strace $0x9FFFFFFF  }
0xc6: {  	(tm) =	ssettm $0x7FFFFFFF  }
0xc7: {  	_ =	shalt  }
tec
execute0_lowered:
.L_overlay_start_1:
0x0: {  	(tag) =	ssettag $0x1  }
0x1: {  	s3 =	rddreg [dreg:$0x0]  }
0x2: {  	s4 =	rddreg [dreg:$0x1]  }
0x3: {  	s5 =	rddreg [dreg:$0x2]  }
0x4: {  	s6 =	rddreg [dreg:$0x3]  }
0x5: {  	s0 =	rddreg [dreg:$0x4];
	s2 =	simm.s32 $0x0;
	s7 =	srdreg.scid  }
0x6: {  	s1 =	stileid.u32;
	s11 =	simm.s32 $0xB00;
	s12 =	simm.s32 $0x2  }
0x7: {  	s13 =	simm.s32 $0x0;
	[smem:$0x7FF] =	sst s2;
	s7 =	sand.u32 $0x1, s7  }
0x8: {  	s9 =	sshll.u32 s1, $0x6;
	s3 =	sadd.s32 $0xA00, s3;
	s8 =	ssub.s32 $0x2, s7  }
0x9: {  	s7 =	sshll.u32 s7, $0xA;
	_ =	strace $0x80000047;
	s10 =	sshrl.u32 s8, $0x1  }
0xa: {  	s7 =	sor.u32 s9, s7;
	s9 =	simm.s32 $0x900;
	s8 =	ssub.s32 s8, s10  }
0xb: {  	s4 =	sadd.s32 s4, s7;
	s5 =	sadd.s32 s5, s7;
	s6 =	sadd.s32 s6, s7  }
0xc: {  	s10 =	simm.s32 $0x1;
	s7 =	smax.u32 s8, $0x1;
	s8 =	simm.s32 $0x700  }
.LBB2_1:
0xd: {  	[tilespmem:s2], [sflag:$0x1] =	stream.linear.gather [hbm4b:s3+s2], $0x700, $0x38;
	[tilespmem:$0xD00] =	vst v63  }
0xe: {  	_ = 	snop  }
0xf: {  	[tilespmem:s8], [sflag:$0x1] =	stream.linear.gather [hbm4b:s4+s2], $0x200, $0x38;
	[tilespmem:$0xD00] =	vst v63  }
0x10: {  	_ = 	snop  }
0x11: {  	[tilespmem:s9], [sflag:$0x1] =	stream.linear.gather [hbm4b:s5+s2], $0x200, $0x38;
	[tilespmem:$0xD00] =	vst v63  }
0x12: {  	_ =	swait.ge [sflag:s10], $0x700  }
0x13: {  	[sflag:s10] =	ssyncset.done $0x0  }
0x14: {  	[sflag:s10] =	ssyncadd.s32 $0xFFFFF900  }
0x15: {  	_ =	swait.ge [sflag:s10], $0x200  }
0x16: {  	[sflag:s10] =	ssyncset.done $0x0  }
0x17: {  	[sflag:s10] =	ssyncadd.s32 $0xFFFFFE00  }
0x18: {  	_ =	swait.ge [sflag:s10], $0x200  }
0x19: {  	[sflag:s10] =	ssyncset.done $0x0  }
0x1a: {  	s14 =	simm.s32 $0x710;
	[sflag:s10] =	ssyncadd.s32 $0xFFFFFE00  }
0x1b: {  	s15 =	simm.s32 $0x910;
	v0 =	vld [tilespmem:s14+$0x0]  }
0x1c: {  	v1 =	vld [tilespmem:s15+$0x0];
	_ =	sdelay $0x2  }
0x1d: {  	s16 =	simm.s32 $0x930;
	v2 =	vld [tilespmem:s15+$0xFFFFFFF0]  }
0x1e: {  	v5 =	vld [tilespmem:s16+$0x0]  }
0x1f: {  	v3 =	vand.u32 $0x7F, v0;
	v0 =	vshll.u32 v0, $0x1;
	v4 =	vshll.u32 v1, $0x1  }
0x20: {  	v1 =	vand.u32 $0x7F, v1;
	v0 =	vand.u32 $0xFFFFFF00, v0;
	v4 =	vand.u32 $0xFFFFFF00, v4  }
0x21: {  	s21 =	simm.s32 $0x730;
	v0 =	vor.u32 v3, v0;
	v1 =	vor.u32 v4, v1  }
0x22: {  	v3 =	vld [tilespmem:s21+$0x0];
	v1 =	vor.u32 $0x80, v1  }
0x23: {  	v6 =	vld [tilespmem:s14+$0xFFFFFFF0];
	v8 =	vshll.u32 v5, $0x1;
	v5 =	vand.u32 $0x7F, v5;
	v4 =	vshll.u32 v2, $0x1  }
0x24: {  	v8 =	vand.u32 $0xFFFFFF00, v8;
	v2 =	vand.u32 $0x7F, v2;
	v4 =	vand.u32 $0xFFFFFF00, v4  }
0x25: {  	v5 =	vor.u32 v8, v5;
	v2 =	vor.u32 v4, v2;
	v4 =	vld [tilespmem:s16+$0xFFFFFFF0]  }
0x26: {  	v5 =	vor.u32 $0x80, v5;
	v0 =	vld.idx.msk [tilespmem:v0+s2+$0x0], $0xffff  }
0x27: {  	v2 =	vor.u32 $0x80, v2;
	v7 =	vand.u32 $0x7F, v3;
	v3 =	vshll.u32 v3, $0x1;
	v1 =	vld.idx.msk [tilespmem:v1+s2+$0x0], $0xffff  }
0x28: {  	v9 =	vshll.u32 v6, $0x1;
	v3 =	vand.u32 $0xFFFFFF00, v3  }
0x29: {  	s22 =	simm.s32 $0x750;
	v10 =	vld [tilespmem:s21+$0xFFFFFFF0];
	v6 =	vand.u32 $0x7F, v6;
	v3 =	vor.u32 v7, v3;
	v7 =	vand.u32 $0xFFFFFF00, v9  }
0x2a: {  	v8 =	vld [tilespmem:s22+$0x0];
	v6 =	vor.u32 v6, v7;
	v7 =	vshll.u32 v4, $0x1  }
0x2b: {  	v5 =	vld.idx.msk [tilespmem:v5+s2+$0x0], $0xffff;
	v4 =	vand.u32 $0x7F, v4;
	v7 =	vand.u32 $0xFFFFFF00, v7  }
0x2c: {  	s23 =	simm.s32 $0x950;
	v2 =	vld.idx.msk [tilespmem:v2+s2+$0x0], $0xffff;
	v4 =	vor.u32 v7, v4;
	v0 =	vadd.f32 v1, v0  }
0x2d: {  	v1 =	vld [tilespmem:s23+$0x0];
	v4 =	vor.u32 $0x80, v4  }
0x2e: {  	v7 =	vld [tilespmem:s23+$0xFFFFFFF0];
	v0 =	vsub.f32 $0.0e+00, v0  }
0x2f: {  	v11 =	vand.u32 $0x7F, v8;
	v8 =	vshll.u32 v8, $0x1;
	v9 =	vshll.u32 v10, $0x1;
	v3 =	vld.idx.msk [tilespmem:v3+s2+$0x0], $0xffff  }
0x30: {  	v10 =	vand.u32 $0x7F, v10;
	v9 =	vand.u32 $0xFFFFFF00, v9;
	v6 =	vld.idx.msk [tilespmem:v6+s2+$0x0], $0xffff;
	v0 =	vmul.f32 $1.442695020e+00, v0  }
0x31: {  	v8 =	vand.u32 $0xFFFFFF00, v8;
	v9 =	vor.u32 v10, v9;
	v10 =	vld [tilespmem:s22+$0xFFFFFFF0]  }
0x32: {  	s24 =	simm.s32 $0x770;
	v12 =	vshll.u32 v1, $0x1;
	v1 =	vand.u32 $0x7F, v1;
	(erf) = vpow2.f32 v0;
	v0 =	vld.idx.msk [tilespmem:v4+s2+$0x0], $0xffff  }
0x33: {  	s25 =	simm.s32 $0x970;
	v12 =	vand.u32 $0xFFFFFF00, v12;
	v4 =	vor.u32 v11, v8;
	v8 =	vshll.u32 v7, $0x1;
	v11 =	vld [tilespmem:s24+$0x0]  }
0x34: {  	v3 =	vadd.f32 v5, v3;
	v5 =	vand.u32 $0x7F, v7;
	v7 =	vld [tilespmem:s25+$0x0];
	v1 =	vor.u32 v12, v1  }
0x35: {  	v2 =	vadd.f32 v2, v6;
	v6 =	vand.u32 $0xFFFFFF00, v8;
	v1 =	vor.u32 $0x80, v1  }
0x36: {  	v8 =	vld.idx.msk [tilespmem:v9+s2+$0x0], $0xffff;
	v9 =	vshll.u32 v10, $0x1;
	v5 =	vor.u32 v6, v5;
	v3 =	vsub.f32 $0.0e+00, v3  }
0x37: {  	v55 =	vld [tilespmem:s24+$0xFFFFFFF0];
	v6 =	vand.u32 $0x7F, v10;
	v9 =	vand.u32 $0xFFFFFF00, v9;
	v5 =	vor.u32 $0x80, v5  }
0x38: {  	v10 =	vld [tilespmem:s25+$0xFFFFFFF0];
	v6 =	vor.u32 v6, v9;
	v3 =	vmul.f32 $1.442695020e+00, v3;
	v9 =	vand.u32 $0x7F, v11  }
0x39: {  	v4 =	vld.idx.msk [tilespmem:v4+s2+$0x0], $0xffff;
	v11 =	vshll.u32 v11, $0x1;
	v13 =	vshll.u32 v7, $0x1;
	v7 =	vand.u32 $0x7F, v7  }
0x3a: {  	(erf) = vpow2.f32 v3;
	v3 =	vand.u32 $0xFFFFFF00, v11;
	v11 =	vand.u32 $0xFFFFFF00, v13;
	v1 =	vld.idx.msk [tilespmem:v1+s2+$0x0], $0xffff  }
0x3b: {  	s28 =	simm.s32 $0x990;
	v3 =	vor.u32 v9, v3;
	v7 =	vor.u32 v11, v7  }
0x3c: {  	s26 =	simm.s32 $0x790;
	v56 =	vld [tilespmem:s28+$0x0];
	v12 =	vand.u32 $0x7F, v55;
	v2 =	vsub.f32 $0.0e+00, v2;
	v7 =	vor.u32 $0x80, v7  }
0x3d: {  	v0 =	vadd.f32 v0, v8;
	v9 =	vand.u32 $0x7F, v10;
	v10 =	vshll.u32 v10, $0x1;
	v11 =	vld [tilespmem:s26+$0x0];
	v8 =	vpop (erf)  }
0x3e: {  	v2 =	vmul.f32 $1.442695020e+00, v2;
	v5 =	vld.idx.msk [tilespmem:v5+s2+$0x0], $0xffff;
	v10 =	vand.u32 $0xFFFFFF00, v10;
	v8 =	vadd.f32 $1.000000000e+00, v8  }
0x3f: {  	v6 =	vld.idx.msk [tilespmem:v6+s2+$0x0], $0xffff;
	v9 =	vor.u32 v10, v9;
	v1 =	vadd.f32 v1, v4;
	v4 =	vshll.u32 v55, $0x1  }
0x40: {  	(erf) = vrcp.f32 v8;
	v8 =	vor.u32 $0x80, v9;
	v3 =	vld.idx.msk [tilespmem:v3+s2+$0x0], $0xffff;
	v4 =	vand.u32 $0xFFFFFF00, v4  }
0x41: {  	(erf) = vpow2.f32 v2;
	v2 =	vld.idx.msk [tilespmem:v7+s2+$0x0], $0xffff;
	v1 =	vsub.f32 $0.0e+00, v1;
	v4 =	vor.u32 v12, v4  }
0x42: {  	v57 =	vshll.u32 v56, $0x1;
	v0 =	vsub.f32 $0.0e+00, v0;
	v10 =	vld [tilespmem:s28+$0xFFFFFFF0];
	v9 =	vshll.u32 v11, $0x1  }
0x43: {  	v7 =	vand.u32 $0x7F, v11;
	v9 =	vand.u32 $0xFFFFFF00, v9;
	v1 =	vmul.f32 $1.442695020e+00, v1  }
0x44: {  	v5 =	vadd.f32 v5, v6;
	v6 =	vld [tilespmem:s26+$0xFFFFFFF0];
	v12 =	vand.u32 $0xFFFFFF00, v57;
	v7 =	vor.u32 v7, v9;
	v11 =	vpop (erf)  }
0x45: {  	v8 =	vld.idx.msk [tilespmem:v8+s2+$0x0], $0xffff;
	(erf) = vpow2.f32 v1;
	v1 =	vadd.f32 $1.000000000e+00, v11;
	v11 =	vand.u32 $0x7F, v56  }
0x46: {  	s29 =	simm.s32 $0x7B0;
	v5 =	vsub.f32 $0.0e+00, v5;
	v2 =	vadd.f32 v2, v3;
	v9 =	vor.u32 v12, v11;
	v4 =	vld.idx.msk [tilespmem:v4+s2+$0x0], $0xffff  }
0x47: {  	s30 =	simm.s32 $0x9B0;
	v11 =	vld [tilespmem:s29+$0x0];
	(erf) = vrcp.f32 v1;
	v1 =	vand.u32 $0x7F, v10;
	v10 =	vshll.u32 v10, $0x1  }
0x48: {  	v9 =	vor.u32 $0x80, v9;
	v2 =	vsub.f32 $0.0e+00, v2;
	v3 =	vand.u32 $0xFFFFFF00, v10;
	v10 =	vld [tilespmem:s30+$0x0]  }
0x49: {  	v0 =	vmul.f32 $1.442695020e+00, v0;
	v5 =	vmul.f32 $1.442695020e+00, v5;
	v58 =	vshll.u32 v6, $0x1  }
0x4a: {  	v6 =	vand.u32 $0x7F, v6;
	v12 =	vand.u32 $0xFFFFFF00, v58;
	v7 =	vld.idx.msk [tilespmem:v7+s2+$0x0], $0xffff;
	v2 =	vmul.f32 $1.442695020e+00, v2  }
0x4b: {  	v6 =	vor.u32 v6, v12;
	v59 =	vpop (erf);
	(erf) = vpow2.f32 v0;
	v1 =	vor.u32 v3, v1;
	v3 =	vld [tilespmem:s30+$0xFFFFFFF0]  }
0x4c: {  	v60 =	vpop (erf);
	v1 =	vor.u32 $0x80, v1;
	v4 =	vadd.f32 v8, v4;
	v8 =	vld [tilespmem:s29+$0xFFFFFFF0];
	(erf) = vpow2.f32 v2  }
0x4d: {  	v0 =	vld.idx.msk [tilespmem:v9+s2+$0x0], $0xffff;
	v9 =	vand.u32 $0x7F, v11;
	v11 =	vshll.u32 v11, $0x1;
	v2 =	vshll.u32 v10, $0x1  }
0x4e: {  	v11 =	vand.u32 $0xFFFFFF00, v11;
	v10 =	vand.u32 $0x7F, v10;
	v14 =	vpop (erf);
	v2 =	vand.u32 $0xFFFFFF00, v2  }
0x4f: {  	v9 =	vor.u32 v9, v11;
	v14 =	vadd.f32 $1.000000000e+00, v14;
	v2 =	vor.u32 v2, v10  }
0x50: {  	s31 =	simm.s32 $0x7D0;
	v6 =	vld.idx.msk [tilespmem:v6+s2+$0x0], $0xffff;
	v10 =	vand.u32 $0x7F, v3;
	v3 =	vshll.u32 v3, $0x1;
	v2 =	vor.u32 $0x80, v2  }
0x51: {  	v11 =	vld [tilespmem:s31+$0x0];
	v61 =	vshll.u32 v8, $0x1;
	v3 =	vand.u32 $0xFFFFFF00, v3;
	(erf) = vrcp.f32 v14  }
0x52: {  	v1 =	vld.idx.msk [tilespmem:v1+s2+$0x0], $0xffff;
	v0 =	vadd.f32 v0, v7;
	v7 =	vand.u32 $0x7F, v8;
	v8 =	vand.u32 $0xFFFFFF00, v61  }
0x53: {  	s17 =	simm.s32 $0x9D0;
	v3 =	vor.u32 v3, v10;
	v14 =	vor.u32 v7, v8;
	v7 =	vsub.f32 $0.0e+00, v4  }
0x54: {  	v12 =	vadd.f32 $1.000000000e+00, v60;
	v10 =	vld [tilespmem:s17+$0x0];
	v8 =	vor.u32 $0x80, v3;
	v3 =	vsub.f32 $0.0e+00, v0  }
0x55: {  	v16 =	vld [tilespmem:s17+$0xFFFFFFF0];
	v15 =	vpop (erf);
	(erf) = vpow2.f32 v5  }
0x56: {  	(erf) = vrcp.f32 v12;
	v4 =	vld.idx.msk [tilespmem:v9+s2+$0x0], $0xffff;
	v0 =	vpop (erf);
	v5 =	vmul.f32 $1.442695020e+00, v3  }
0x57: {  	v9 =	vand.u32 $0x7F, v11;
	v1 =	vadd.f32 v1, v6;
	v3 =	vmul.f32 $1.442695020e+00, v7;
	v6 =	vld.idx.msk [tilespmem:v2+s2+$0x0], $0xffff;
	v7 =	vpop (erf)  }
0x58: {  	v11 =	vshll.u32 v11, $0x1;
	(erf) = vpow2.f32 v5;
	v5 =	vadd.f32 $1.000000000e+00, v7;
	v7 =	vld [tilespmem:s31+$0xFFFFFFF0]  }
0x59: {  	s14 =	simm.s32 $0xB10;
	v11 =	vand.u32 $0xFFFFFF00, v11;
	v2 =	vshll.u32 v10, $0x1  }
0x5a: {  	s15 =	simm.s32 $0xB30;
	[tilespmem:s14+$0x0] =	vst v59;
	v0 =	vadd.f32 $1.000000000e+00, v0;
	v10 =	vand.u32 $0x7F, v10;
	v62 =	vand.u32 $0xFFFFFF00, v2  }
0x5b: {  	s16 =	simm.s32 $0xB50;
	[tilespmem:s15+$0x0] =	vst v15;
	v2 =	vld.idx.msk [tilespmem:v8+s2+$0x0], $0xffff;
	v8 =	vor.u32 v9, v11;
	v9 =	vor.u32 v62, v10;
	(erf) = vrcp.f32 v5;
	v63 =	vpop (erf)  }
0x5c: {  	s18 =	simm.s32 $0xC0;
	s19 =	simm.s32 $0x7F0;
	v11 =	vshll.u32 v16, $0x1;
	v10 =	vand.u32 $0x7F, v16;
	v5 =	vld.idx.msk [tilespmem:v14+s2+$0x0], $0xffff;
	v9 =	vor.u32 $0x80, v9;
	[tilespmem:s16+$0x0] =	vst v63  }
.LBB2_2:
0x5d: {  	v12 =	vld [tilespmem:s19+$0x0];
	v13 =	vshll.u32 v7, $0x1;
	v11 =	vand.u32 $0xFFFFFF00, v11;
	s17 =	sadd.s32 $0x20, s17;
	v4 =	vadd.f32 v6, v4  }
0x5e: {  	s18 =	sadd.s32 $0x20, s18;
	v15 =	vand.u32 $0x7F, v7;
	v14 =	vld [tilespmem:s17+$0x0];
	v7 =	vand.u32 $0xFFFFFF00, v13;
	v10 =	vor.u32 v11, v10  }
0x5f: {  	p0 =	slt.u32 s18, $0x1E0;
	v11 =	vld [tilespmem:s17+$0xFFFFFFF0];
	v13 =	vor.u32 v15, v7;
	v10 =	vor.u32 $0x80, v10;
	v7 =	vsub.f32 $0.0e+00, v4;
	v6 =	vpop (erf)  }
0x60: {  	v4 =	vld.idx.msk [tilespmem:v8+s2+$0x0], $0xffff;
	v8 =	vsub.f32 $0.0e+00, v1;
	(erf) = vpow2.f32 v3;
	v15 =	vadd.f32 $1.000000000e+00, v6;
	v3 =	vpop (erf)  }
0x61: {  	v1 =	vadd.f32 v2, v5;
	v6 =	vld.idx.msk [tilespmem:v9+s2+$0x0], $0xffff;
	v2 =	vmul.f32 $1.442695020e+00, v7;
	(erf) = vrcp.f32 v0;
	[tilespmem:s14+$0xFFFFFFF0] =	vst v3;
	s14 =	smov.u32 s15;
	s15 =	smov.u32 s16  }
.Ltmp0:
0x62: {  	v7 =	vld [tilespmem:s19+$0xFFFFFFF0];
	v5 =	vand.u32 $0x7F, v12;
	v9 =	vshll.u32 v12, $0x1;
	v3 =	vmul.f32 $1.442695020e+00, v8;
	v0 =	vpop (erf);
	(pc) =	sbr.rel @p0 .LBB2_2-.Ltmp0, $4  }
0x63: {  	v8 =	vshll.u32 v14, $0x1;
	(erf) = vpow2.f32 v2;
	v12 =	vadd.f32 $1.000000000e+00, v0;
	v0 =	vmovc v15  }
0x64: {  	s16 =	sadd.s32 $0x20, s16;
	v9 =	vand.u32 $0xFFFFFF00, v9;
	v14 =	vand.u32 $0x7F, v14;
	v15 =	vand.u32 $0xFFFFFF00, v8;
	v2 =	vld.idx.msk [tilespmem:v10+s2+$0x0], $0xffff;
	v10 =	vpop (erf)  }
0x65: {  	v8 =	vor.u32 v5, v9;
	v9 =	vor.u32 v15, v14;
	v5 =	vld.idx.msk [tilespmem:v13+s2+$0x0], $0xffff;
	(erf) = vrcp.f32 v12;
	[tilespmem:s16+$0x0] =	vst v10  }
0x66: {  	s19 =	sadd.s32 $0x20, s19;
	v10 =	vand.u32 $0x7F, v11;
	v11 =	vshll.u32 v11, $0x1;
	v9 =	vor.u32 $0x80, v9  }
0x67: {  	_ =	sdelay $0x3  }
0x68: {  	v8 =	vld.idx.msk [tilespmem:v8+s2+$0x0], $0xffff  }
0x69: {  	v9 =	vld.idx.msk [tilespmem:v9+s2+$0x0], $0xffff  }
0x6a: {  	v4 =	vadd.f32 v6, v4  }
0x6b: {  	v31 =	vshll.u32 v7, $0x1  }
0x6c: {  	v11 =	vand.u32 $0xFFFFFF00, v11;
	v32 =	vand.u32 $0x7F, v7;
	v4 =	vsub.f32 $0.0e+00, v4;
	v12 =	vpop (erf)  }
0x6d: {  	v1 =	vsub.f32 $0.0e+00, v1;
	v6 =	vand.u32 $0xFFFFFF00, v31;
	v10 =	vor.u32 v11, v10;
	v33 =	vpop (erf)  }
0x6e: {  	(erf) = vpow2.f32 v3;
	v34 =	vmul.f32 $1.442695020e+00, v4;
	v35 =	vpop (erf);
	v8 =	vadd.f32 v9, v8  }
0x6f: {  	v36 =	vor.u32 $0x80, v10;
	(erf) = vrcp.f32 v0;
	v37 =	vadd.f32 $1.000000000e+00, v35  }
0x70: {  	v1 =	vmul.f32 $1.442695020e+00, v1;
	(erf) = vpow2.f32 v34;
	v38 =	vsub.f32 $0.0e+00, v8  }
0x71: {  	v39 =	vor.u32 v32, v6;
	v40 =	vadd.f32 $1.000000000e+00, v12;
	(erf) = vrcp.f32 v37  }
0x72: {  	(erf) = vpow2.f32 v1;
	v41 =	vmul.f32 $1.442695020e+00, v38  }
0x73: {  	(erf) = vrcp.f32 v40  }
0x74: {  	(erf) = vpow2.f32 v41  }
0x75: {  	v42 =	vld.idx.msk [tilespmem:v36+s2+$0x0], $0xffff  }
0x76: {  	v43 =	vpop (erf);
	v44 =	vld.idx.msk [tilespmem:v39+s2+$0x0], $0xffff  }
0x77: {  	v45 =	vpop (erf)  }
0x78: {  	v2 =	vadd.f32 v2, v5;
	v46 =	vpop (erf)  }
0x79: {  	v47 =	vpop (erf)  }
0x7a: {  	v2 =	vsub.f32 $0.0e+00, v2;
	v48 =	vpop (erf)  }
0x7b: {  	v0 =	vadd.f32 v42, v44;
	v49 =	vadd.f32 $1.000000000e+00, v47;
	v50 =	vpop (erf)  }
0x7c: {  	v2 =	vmul.f32 $1.442695020e+00, v2;
	v51 =	vpop (erf)  }
0x7d: {  	v4 =	vadd.f32 $1.000000000e+00, v45;
	v0 =	vsub.f32 $0.0e+00, v0;
	(erf) = vrcp.f32 v49;
	v52 =	vpop (erf)  }
0x7e: {  	(erf) = vpow2.f32 v2;
	v53 =	vadd.f32 $1.000000000e+00, v52  }
0x7f: {  	v0 =	vmul.f32 $1.442695020e+00, v0;
	(erf) = vrcp.f32 v4  }
0x80: {  	(erf) = vrcp.f32 v53  }
0x81: {  	(erf) = vpow2.f32 v0;
	_ =	sdelay $0x4  }
0x82: {  	v54 =	vpop (erf)  }
0x83: {  	v55 =	vpop (erf)  }
0x84: {  	v56 =	vpop (erf)  }
0x85: {  	v57 =	vadd.f32 $1.000000000e+00, v50;
	v58 =	vpop (erf)  }
0x86: {  	v2 =	vadd.f32 $1.000000000e+00, v55;
	v59 =	vpop (erf)  }
0x87: {  	(erf) = vrcp.f32 v57;
	v60 =	vadd.f32 $1.000000000e+00, v59  }
0x88: {  	(erf) = vrcp.f32 v2  }
0x89: {  	s28 =	sadd.s32 $0x20, s16;
	[tilespmem:s14+$0xFFFFFFF0] =	vst v33;
	(erf) = vrcp.f32 v60  }
0x8a: {  	[tilespmem:s28+$0x0] =	vst v43  }
0x8b: {  	s29 =	sadd.s32 $0x20, s28;
	[tilespmem:s15+$0xFFFFFFF0] =	vst v46  }
0x8c: {  	[tilespmem:s29+$0x0] =	vst v48  }
0x8d: {  	s30 =	sadd.s32 $0x20, s29;
	[tilespmem:s16+$0xFFFFFFF0] =	vst v51  }
0x8e: {  	[tilespmem:s30+$0x0] =	vst v54  }
0x8f: {  	s31 =	sadd.s32 $0x20, s30;
	[tilespmem:s28+$0xFFFFFFF0] =	vst v56  }
0x90: {  	[tilespmem:s31+$0x0] =	vst v58;
	v61 =	vpop (erf)  }
0x91: {  	s13 =	sadd.s32 $0x1, s13;
	[tilespmem:s29+$0xFFFFFFF0] =	vst v61;
	v62 =	vpop (erf)  }
0x92: {  	p0 =	sne.s32 s13, s7;
	[tilespmem:s30+$0xFFFFFFF0] =	vst v62;
	v63 =	vpop (erf)  }
.Ltmp1:
0x93: {  	[tilespmem:s31+$0xFFFFFFF0] =	vst v63;
	(pc) =	sbr.rel @p0 .LBB2_1-.Ltmp1, $4  }
0x94: {  	[hbm4b:s6+s2] =	stream.linear.scatter [tilespmem:s11], [sflag:$0x2], $0x200, $0x38;
	[tilespmem:$0xD00] =	vst v63  }
0x95: {  	_ =	swait.ge [sflag:s12], $0x200  }
0x96: {  	[sflag:s12] =	ssyncset.done $0x0  }
0x97: {  	[sflag:s12] =	ssyncadd.s32 $0xFFFFFE00  }
0x98: {  	_ =	sfence.sel $0x180000  }
0x99: {  	[bflag:$0x0] =	sbarrier.arrive $0xFFFF  }
0x9a: {  	p0 =	sne.s32 s1, $0x0;
	_ =	strace $0x90000047  }
0x9b: {  	s0 =	sadd.s32 @!p0 $0x100000, s0;
	[bflag:$0x2] =	sbarrier.arrive $0xFFFF  }
0x9c: {  	[sflag:s0] =	ssyncadd.tile.s32 @!p0 $0x1;
	_ =	shalt  }
.Lfunc_end2:
_tile_overlayer_lowered:
.L_overlay_start_2:
0x9d: {  	(tag) =	ssettag $0x2  }
0x9e: {  	s0 =	rddreg [dreg:$0x0];
	s2 =	stileid.u32  }
0x9f: {  	s1 =	rddreg [dreg:$0x1];
	p0 =	sne.s32 s2, $0x0  }
0xa0: {  	s3 =	rddreg [dreg:$0x2];
	[bflag:$0x3] =	sbarrier.arrive $0xFFFF;
	s2 =	simm.s32 @!p0 $0x1C02  }
0xa1: {  	[timem:s3], [sflag:s2] =	dma.local @!p0 [hbm:s0], s1  }
0xa2: {  	s0 =	simm.s32 @!p0 $0x2  }
0xa3: {  	_ =	swait.ge @!p0 [sflag:s0], s1  }
0xa4: {  	s1 =	ssub.s32 @!p0 $0x0, s1;
	[sflag:s0] =	ssyncset.done @!p0 $0x0  }
0xa5: {  	[sflag:s0] =	ssyncadd.s32 @!p0 s1  }
0xa6: {  	[bflag:$0x3] =	sbarrier.arrive $0xFFFF  }
0xa7: {  	_ =	shalt  }

</sc_bundles>
